<compile_context>
chip_gen: v7x
topology: tpu7x:2x2x1
jax: 0.10.2.dev20260603
libtpu: 0.0.44.dev20260713+nightly
codegen_flags: <defaults>
</compile_context>

<pallas_src>
import functools

import jax
import jax.numpy as jnp
from jax.experimental import pallas as pl
from jax.experimental.pallas import tpu as pltpu
from jax.experimental.pallas import tpu_sc as plsc

B, L, H = 4096, 50, 64
BL = B * L
N_DUR = 16
N_WATCH = 32
N_TG = 32
MAX_SEQ_LEN = 50

_OFF_POS = 0
_OFF_DUR = _OFF_POS + MAX_SEQ_LEN
_OFF_WATCH = _OFF_DUR + (N_DUR + 1)
_OFF_TG = _OFF_WATCH + (N_WATCH + 1)
_OFF_WR = _OFF_TG + (N_TG + 1)
_N_ROWS = 136

_BB = 64
_T = _BB * L
_G = B // _BB

_W = 128


_NC, _NS = 2, 16
_NW = _NC * _NS
_BPW = BL // _NW
_CH = 128


def _sc_gather_item(table_pairs, phys_ids):
    mesh = plsc.VectorSubcoreMesh(core_axis_name="c", subcore_axis_name="s")

    @functools.partial(
        pl.kernel,
        out_type=jax.ShapeDtypeStruct((BL, 2 * H), jnp.float32),
        mesh=mesh,
        scratch_types=[
            pltpu.VMEM((_CH,), jnp.int32),
            pltpu.VMEM((_CH,), jnp.int32),
            pltpu.VMEM((_CH, 2 * H), jnp.float32),
            pltpu.VMEM((_CH, 2 * H), jnp.float32),
            pltpu.SemaphoreType.DMA,
            pltpu.SemaphoreType.DMA,
            pltpu.SemaphoreType.DMA,
        ],
    )
    def gather_kernel(tbl_hbm, ids_hbm, out_hbm, idx0, idx1, rows0, rows1,
                      gsem, osem0, osem1):
        wid = jax.lax.axis_index("s") * _NC + jax.lax.axis_index("c")
        base = wid * _BPW

        @pl.loop(0, _BPW, step=2 * _CH)
        def _(off):
            first = off == 0

            pltpu.sync_copy(ids_hbm.at[pl.ds(base + off, _CH)], idx0)

            @pl.when(jnp.logical_not(first))
            def _():
                pltpu.make_async_copy(
                    rows0, out_hbm.at[pl.ds(base + off - _CH, _CH)],
                    osem0).wait()

            pltpu.async_copy(tbl_hbm.at[idx0], rows0, gsem).wait()
            pltpu.make_async_copy(
                rows0, out_hbm.at[pl.ds(base + off, _CH)], osem0).start()

            pltpu.sync_copy(ids_hbm.at[pl.ds(base + off + _CH, _CH)], idx1)

            @pl.when(jnp.logical_not(first))
            def _():
                pltpu.make_async_copy(
                    rows1, out_hbm.at[pl.ds(base + off, _CH)], osem1).wait()

            pltpu.async_copy(tbl_hbm.at[idx1], rows1, gsem).wait()
            pltpu.make_async_copy(
                rows1, out_hbm.at[pl.ds(base + off + _CH, _CH)], osem1).start()

        pltpu.make_async_copy(
            rows0, out_hbm.at[pl.ds(base, _CH)], osem0).wait()
        pltpu.make_async_copy(
            rows1, out_hbm.at[pl.ds(base, _CH)], osem1).wait()

    return gather_kernel(table_pairs, phys_ids)


def _tc_body(item_ref, id_ref, p_ref, d_ref, w_ref, t_ref, wr_ref, tbl_ref,
             bias_ref, g_ref, b_ref, o_ref):
    p = p_ref[0, :, :]
    d = d_ref[0, :, :]
    w = w_ref[0, :, :]
    t = t_ref[0, :, :]
    wr = wr_ref[0, :, :]
    ids = id_ref[0, :, :]

    row = jax.lax.broadcasted_iota(jnp.int32, (_N_ROWS, _T), 0)
    cmp = (
        (row == p + _OFF_POS)
        | (row == d + _OFF_DUR)
        | (row == w + _OFF_WATCH)
        | (row == t + _OFF_TG)
    )
    hot = jnp.where(row == _OFF_WR, wr.astype(jnp.bfloat16),
                    cmp.astype(jnp.bfloat16))
    looked = jax.lax.dot_general(
        hot, tbl_ref[...], (((0,), (0,)), ((), ())),
        preferred_element_type=jnp.float32)

    ones_row = jnp.full((1, H), 1.0, jnp.bfloat16)
    par = (ids & 1).astype(jnp.bfloat16)
    par64 = jax.lax.dot_general(par, ones_row, (((0,), (0,)), ((), ())),
                                preferred_element_type=jnp.float32)

    pairs = item_ref[...]
    left = pairs[:, :H]
    right = pairs[:, H:]
    item = left + par64 * (right - left)

    x = item + looked + bias_ref[...]
    avg = jnp.full((H, H), 1.0 / H, jnp.bfloat16)
    mu = jax.lax.dot_general(x.astype(jnp.bfloat16), avg,
                             (((1,), (0,)), ((), ())),
                             preferred_element_type=jnp.float32)
    xc = x - mu
    var = jax.lax.dot_general((xc * xc).astype(jnp.bfloat16), avg,
                              (((1,), (0,)), ((), ())),
                              preferred_element_type=jnp.float32)
    y = xc * jax.lax.rsqrt(var + 1e-5)
    y = y * g_ref[...] + b_ref[...]
    o_ref[...] = y.reshape(_BB, L, H)


def _tc_enrich(item_pairs, ids3, p3, d3, w3, t3, wr3, tbl, bias, gamma, beta):
    idx_spec = pl.BlockSpec((1, 1, _T), lambda i: (i, 0, 0))
    full = lambda shape: pl.BlockSpec(shape, lambda i: (0,) * len(shape))
    return pl.pallas_call(
        _tc_body,
        grid=(_G,),
        in_specs=[
            pl.BlockSpec((_T, 2 * H), lambda i: (i, 0)),
            idx_spec, idx_spec, idx_spec, idx_spec, idx_spec, idx_spec,
            full((_N_ROWS, H)),
            full((1, H)),
            full((1, H)),
            full((1, H)),
        ],
        out_specs=pl.BlockSpec((_BB, L, H), lambda i: (i, 0, 0)),
        out_shape=jax.ShapeDtypeStruct((B, L, H), jnp.float32),
    )(item_pairs, ids3, p3, d3, w3, t3, wr3, tbl, bias, gamma, beta)


def kernel(item_ids, positions, watch_ratios, watch_bucket_ids,
           duration_bucket_ids, time_gap_bucket_ids, item_table, pos_table,
           tg_table, dur_table, watch_table, w_dur, b_dur, w_wr, b_wr,
           ln_gamma, ln_beta):
    ids_flat = item_ids.astype(jnp.int32).reshape(BL)
    table_pairs = item_table.reshape(item_table.shape[0] // 2, 2 * H)
    item_pairs = _sc_gather_item(table_pairs, ids_flat >> 1)

    dur_ids = jnp.arange(N_DUR + 1, dtype=jnp.float32)
    dur_tbl2 = dur_table + jnp.log1p(dur_ids)[:, None] * w_dur
    tbl = jnp.zeros((_N_ROWS, H), jnp.float32)
    tbl = tbl.at[_OFF_POS:_OFF_POS + MAX_SEQ_LEN].set(pos_table)
    tbl = tbl.at[_OFF_DUR:_OFF_DUR + N_DUR + 1].set(dur_tbl2)
    tbl = tbl.at[_OFF_WATCH:_OFF_WATCH + N_WATCH + 1].set(watch_table)
    tbl = tbl.at[_OFF_TG:_OFF_TG + N_TG + 1].set(tg_table)
    tbl = tbl.at[_OFF_WR].set(w_wr)
    tbl = tbl.astype(jnp.bfloat16)
    bias = (b_dur + b_wr).reshape(1, H)

    ids3 = ids_flat.reshape(_G, 1, _T)
    p3 = positions.astype(jnp.int32).reshape(_G, 1, _T)
    d3 = duration_bucket_ids.astype(jnp.int32).reshape(_G, 1, _T)
    w3 = watch_bucket_ids.astype(jnp.int32).reshape(_G, 1, _T)
    t3 = time_gap_bucket_ids.astype(jnp.int32).reshape(_G, 1, _T)
    wr3 = watch_ratios.reshape(_G, 1, _T)

    return _tc_enrich(item_pairs, ids3, p3, d3, w3, t3, wr3, tbl, bias,
                      ln_gamma.reshape(1, H), ln_beta.reshape(1, H))

# --- scband reference (transcript-rebuilt; emitter-appended) ---
"""Pipeline reference for scband-enriched-embedding-21672404976038 (READ-ONLY COPY).

The authoritative reference and input builder live on the scoring server;
editing this copy changes nothing except your own understanding.
"""

import jax, jax.numpy as jnp
import numpy as np

B, L, H = 4096, 50, 64
NUM_ITEMS = 1000000
MAX_SEQ_LEN = 50
N_DUR = 16
N_WATCH = 32
N_TG = 32


def setup_inputs(seed: int = 0) -> dict:
    key = jax.random.key(seed)
    ks = jax.random.split(key, 16)
    item_ids = jax.random.randint(ks[0], (B, L), 0, NUM_ITEMS, dtype=jnp.int64 if jax.config.jax_enable_x64 else jnp.int32)
    positions = jax.random.randint(ks[1], (B, L), 0, MAX_SEQ_LEN)
    watch_ratios = jax.random.uniform(ks[2], (B, L), dtype=jnp.float32)
    watch_bucket_ids = jax.random.randint(ks[3], (B, L), 0, N_WATCH + 1)
    duration_bucket_ids = jax.random.randint(ks[4], (B, L), 0, N_DUR + 1)
    time_gap_bucket_ids = jax.random.randint(ks[5], (B, L), 0, N_TG + 1)
    item_table = (0.02 * jax.random.normal(ks[6], (NUM_ITEMS + 2, H), dtype=jnp.float32)).at[0].set(0.0)
    pos_table = 0.02 * jax.random.normal(ks[7], (MAX_SEQ_LEN, H), dtype=jnp.float32)
    tg_table = (0.02 * jax.random.normal(ks[8], (N_TG + 1, H), dtype=jnp.float32)).at[0].set(0.0)
    dur_table = (0.02 * jax.random.normal(ks[9], (N_DUR + 1, H), dtype=jnp.float32)).at[0].set(0.0)
    watch_table = (0.02 * jax.random.normal(ks[10], (N_WATCH + 1, H), dtype=jnp.float32)).at[0].set(0.0)
    w_dur = jax.random.uniform(ks[11], (H,), minval=-1.0, maxval=1.0, dtype=jnp.float32)
    b_dur = jax.random.uniform(ks[12], (H,), minval=-1.0, maxval=1.0, dtype=jnp.float32)
    w_wr = jax.random.uniform(ks[13], (H,), minval=-1.0, maxval=1.0, dtype=jnp.float32)
    b_wr = jax.random.uniform(ks[14], (H,), minval=-1.0, maxval=1.0, dtype=jnp.float32)
    ln_gamma = jnp.ones((H,), dtype=jnp.float32)
    ln_beta = jnp.zeros((H,), dtype=jnp.float32)
    return {
        'item_ids': item_ids, 'positions': positions, 'watch_ratios': watch_ratios,
        'watch_bucket_ids': watch_bucket_ids, 'duration_bucket_ids': duration_bucket_ids,
        'time_gap_bucket_ids': time_gap_bucket_ids,
        'item_table': item_table, 'pos_table': pos_table, 'tg_table': tg_table,
        'dur_table': dur_table, 'watch_table': watch_table,
        'w_dur': w_dur, 'b_dur': b_dur, 'w_wr': w_wr, 'b_wr': b_wr,
        'ln_gamma': ln_gamma, 'ln_beta': ln_beta,
    }


def _layer_norm(x, gamma, beta, eps=1e-5):
    mu = jnp.mean(x, axis=-1, keepdims=True)
    var = jnp.mean((x - mu) ** 2, axis=-1, keepdims=True)
    return (x - mu) / jnp.sqrt(var + eps) * gamma + beta


def reference(item_ids, positions, watch_ratios, watch_bucket_ids, duration_bucket_ids,
              time_gap_bucket_ids, item_table, pos_table, tg_table, dur_table, watch_table,
              w_dur, b_dur, w_wr, b_wr, ln_gamma, ln_beta):
    x = jnp.take(item_table, item_ids, axis=0)
    x = x + jnp.take(pos_table, positions, axis=0)
    dur_cont = jnp.log1p(duration_bucket_ids.astype(jnp.float32))[..., None] * w_dur + b_dur
    x = x + dur_cont + jnp.take(dur_table, duration_bucket_ids, axis=0)
    wr_cont = watch_ratios[..., None] * w_wr + b_wr
    x = x + wr_cont + jnp.take(watch_table, watch_bucket_ids, axis=0)
    x = x + jnp.take(tg_table, time_gap_bucket_ids, axis=0)
    # dropout is identity in eval / p=0.0
    x = _layer_norm(x, ln_gamma, ln_beta)
    return x

if __name__ == "__main__":
    import jax
    _d = setup_inputs()
    print(jax.jit(kernel)(*tuple(_d.values())))

</pallas_src>

<mosaic_0001>
#map = affine_map<(d0, d1) -> (0, 0)>
#map1 = affine_map<(d0, d1) -> (0)>
module attributes {stable_mosaic.version = 14 : i64} {
  func.func @gather_kernel(%arg0: i32, %arg1: i32, %arg2: memref<500001x128xf32, #tpu.memory_space<hbm>>, %arg3: memref<204800xi32, #tpu.memory_space<hbm>>, %arg4: memref<204800x128xf32, #tpu.memory_space<hbm>>, %arg5: memref<128xi32, #tpu.memory_space<vmem>>, %arg6: memref<128xi32, #tpu.memory_space<vmem>>, %arg7: memref<128x128xf32, #tpu.memory_space<vmem>>, %arg8: memref<128x128xf32, #tpu.memory_space<vmem>>, %arg9: memref<!tpu.dma_semaphore, #tpu.memory_space<semaphore_mem>>, %arg10: memref<!tpu.dma_semaphore, #tpu.memory_space<semaphore_mem>>, %arg11: memref<!tpu.dma_semaphore, #tpu.memory_space<semaphore_mem>>) attributes {dimension_semantics = [#tpu.dimension_semantics<core_parallel>, #tpu.dimension_semantics<subcore_parallel>], iteration_bounds = array<i64: 2, 16>, scalar_prefetch = 0 : i64, scratch_operands = 7 : i64, tpu.core_type = #tpu.core_type<sc_vector_subcore>, window_params = [{transform_indices = #map}, {transform_indices = #map1}, {transform_indices = #map}]} {
    %mul3A = arith.constant 2 : i32
    %mul3A_0 = arith.muli %arg1, %mul3A : i32
    %add3A = arith.addi %mul3A_0, %arg0 : i32
    %mul3A_1 = arith.constant 6400 : i32
    %mul3A_2 = arith.muli %add3A, %mul3A_1 : i32
    %scan3A = arith.constant 0 : i32
    %scan3A_3 = arith.constant 25 : i32
    %scan3A_4 = arith.addi %scan3A, %scan3A_3 : i32
    %scan3A_5 = arith.constant 1 : i32
    scf.for %scan3A_14 = %scan3A to %scan3A_4 step %scan3A_5  : i32 {
      %mul3A_15 = arith.constant 256 : i32
      %mul3A_16 = arith.muli %scan3A_14, %mul3A_15 : i32
      %add3A_17 = arith.constant 0 : i32
      %add3A_18 = arith.addi %add3A_17, %mul3A_16 : i32
      %eq3A = arith.constant 0 : i32
      %eq3A_19 = arith.cmpi eq, %add3A_18, %eq3A : i32
      %add3A_20 = arith.addi %mul3A_2, %add3A_18 : i32
      "tpu.region"() ({
        %run_scoped3A = tpu.sem_alloc : memref<!tpu.dma_semaphore, #tpu.memory_space<semaphore_mem>>
        %dma_start3A_54 = tpu.memref_slice %arg3[%add3A_20] : memref<204800xi32, #tpu.memory_space<hbm>> -> memref<128xi32, #tpu.memory_space<hbm>>
        %dma_start3A_55 = tpu.memref_slice %arg3[%add3A_20] : memref<204800xi32, #tpu.memory_space<hbm>> -> memref<128xi32, #tpu.memory_space<hbm>>
        tpu.enqueue_dma source(%dma_start3A_55 : memref<128xi32, #tpu.memory_space<hbm>>) target(%arg5 : memref<128xi32, #tpu.memory_space<vmem>>) target_semaphore(%run_scoped3A : memref<!tpu.dma_semaphore, #tpu.memory_space<semaphore_mem>>)
        %dma_wait3A_56 = tpu.memref_slice %arg3[%add3A_20] : memref<204800xi32, #tpu.memory_space<hbm>> -> memref<128xi32, #tpu.memory_space<hbm>>
        %dma_wait3A_57 = tpu.memref_slice %arg3[%add3A_20] : memref<204800xi32, #tpu.memory_space<hbm>> -> memref<128xi32, #tpu.memory_space<hbm>>
        tpu.wait_dma2 semaphore(%run_scoped3A : memref<!tpu.dma_semaphore, #tpu.memory_space<semaphore_mem>>) src(%dma_wait3A_57 : memref<128xi32, #tpu.memory_space<hbm>>) dst(%arg5 : memref<128xi32, #tpu.memory_space<vmem>>)
        tpu.yield
      }) : () -> ()
      %not3A = arith.constant true
      %not3A_21 = arith.xori %eq3A_19, %not3A : i1
      %convert_element_type3A = arith.extui %not3A_21 : i1 to i32
      %cond3A = arith.constant 0 : i32
      %cond3A_22 = arith.cmpi ne, %convert_element_type3A, %cond3A : i32
      scf.if %cond3A_22 {
        %add3A_54 = arith.addi %mul3A_2, %add3A_18 : i32
        %sub3A = arith.constant 128 : i32
        %sub3A_55 = arith.subi %add3A_54, %sub3A : i32
        %dma_wait3A_56 = arith.constant 0 : i32
        %dma_wait3A_57 = tpu.memref_slice %arg4[%sub3A_55, %dma_wait3A_56] : memref<204800x128xf32, #tpu.memory_space<hbm>> -> memref<128x128xf32, #tpu.memory_space<hbm>>
        %dma_wait3A_58 = arith.constant 0 : i32
        %dma_wait3A_59 = tpu.memref_slice %arg4[%sub3A_55, %dma_wait3A_58] : memref<204800x128xf32, #tpu.memory_space<hbm>> -> memref<128x128xf32, #tpu.memory_space<hbm>>
        tpu.wait_dma2 semaphore(%arg10 : memref<!tpu.dma_semaphore, #tpu.memory_space<semaphore_mem>>) src(%arg7 : memref<128x128xf32, #tpu.memory_space<vmem>>) dst(%dma_wait3A_59 : memref<128x128xf32, #tpu.memory_space<hbm>>)
      } else {
      }
      %dma_start3A = arith.constant 0 : i32
      %dma_start3A_23 = arith.constant 0 : i32
      %dma_start3A_24 = tpu.memref_slice %arg2[%dma_start3A, %dma_start3A_23] : memref<500001x128xf32, #tpu.memory_space<hbm>> -> memref<500001x128xf32, #tpu.memory_space<hbm>>
      tpu.enqueue_indirect_dma source(%dma_start3A_24 : memref<500001x128xf32, #tpu.memory_space<hbm>>) target(%arg7 : memref<128x128xf32, #tpu.memory_space<vmem>>) offsets(%arg5 : memref<128xi32, #tpu.memory_space<vmem>>) semaphore(%arg9 : memref<!tpu.dma_semaphore, #tpu.memory_space<semaphore_mem>>)
      %dma_wait3A_25 = arith.constant 0 : i32
      %dma_wait3A_26 = arith.constant 0 : i32
      %dma_wait3A_27 = tpu.memref_slice %arg2[%dma_wait3A_25, %dma_wait3A_26] : memref<500001x128xf32, #tpu.memory_space<hbm>> -> memref<500001x128xf32, #tpu.memory_space<hbm>>
      tpu.wait_indirect_dma semaphore(%arg9 : memref<!tpu.dma_semaphore, #tpu.memory_space<semaphore_mem>>) src(%dma_wait3A_27 : memref<500001x128xf32, #tpu.memory_space<hbm>>) dst(%arg7 : memref<128x128xf32, #tpu.memory_space<vmem>>)
      %add3A_28 = arith.addi %mul3A_2, %add3A_18 : i32
      %dma_start3A_29 = arith.constant 0 : i32
      %dma_start3A_30 = tpu.memref_slice %arg4[%add3A_28, %dma_start3A_29] : memref<204800x128xf32, #tpu.memory_space<hbm>> -> memref<128x128xf32, #tpu.memory_space<hbm>>
      %dma_start3A_31 = arith.constant 0 : i32
      %dma_start3A_32 = tpu.memref_slice %arg4[%add3A_28, %dma_start3A_31] : memref<204800x128xf32, #tpu.memory_space<hbm>> -> memref<128x128xf32, #tpu.memory_space<hbm>>
      tpu.enqueue_dma source(%arg7 : memref<128x128xf32, #tpu.memory_space<vmem>>) target(%dma_start3A_32 : memref<128x128xf32, #tpu.memory_space<hbm>>) target_semaphore(%arg10 : memref<!tpu.dma_semaphore, #tpu.memory_space<semaphore_mem>>)
      %add3A_33 = arith.addi %mul3A_2, %add3A_18 : i32
      %add3A_34 = arith.constant 128 : i32
      %add3A_35 = arith.addi %add3A_33, %add3A_34 : i32
      "tpu.region"() ({
        %run_scoped3A = tpu.sem_alloc : memref<!tpu.dma_semaphore, #tpu.memory_space<semaphore_mem>>
        %dma_start3A_54 = tpu.memref_slice %arg3[%add3A_35] : memref<204800xi32, #tpu.memory_space<hbm>> -> memref<128xi32, #tpu.memory_space<hbm>>
        %dma_start3A_55 = tpu.memref_slice %arg3[%add3A_35] : memref<204800xi32, #tpu.memory_space<hbm>> -> memref<128xi32, #tpu.memory_space<hbm>>
        tpu.enqueue_dma source(%dma_start3A_55 : memref<128xi32, #tpu.memory_space<hbm>>) target(%arg6 : memref<128xi32, #tpu.memory_space<vmem>>) target_semaphore(%run_scoped3A : memref<!tpu.dma_semaphore, #tpu.memory_space<semaphore_mem>>)
        %dma_wait3A_56 = tpu.memref_slice %arg3[%add3A_35] : memref<204800xi32, #tpu.memory_space<hbm>> -> memref<128xi32, #tpu.memory_space<hbm>>
        %dma_wait3A_57 = tpu.memref_slice %arg3[%add3A_35] : memref<204800xi32, #tpu.memory_space<hbm>> -> memref<128xi32, #tpu.memory_space<hbm>>
        tpu.wait_dma2 semaphore(%run_scoped3A : memref<!tpu.dma_semaphore, #tpu.memory_space<semaphore_mem>>) src(%dma_wait3A_57 : memref<128xi32, #tpu.memory_space<hbm>>) dst(%arg6 : memref<128xi32, #tpu.memory_space<vmem>>)
        tpu.yield
      }) : () -> ()
      %not3A_36 = arith.constant true
      %not3A_37 = arith.xori %eq3A_19, %not3A_36 : i1
      %convert_element_type3A_38 = arith.extui %not3A_37 : i1 to i32
      %cond3A_39 = arith.constant 0 : i32
      %cond3A_40 = arith.cmpi ne, %convert_element_type3A_38, %cond3A_39 : i32
      scf.if %cond3A_40 {
        %add3A_54 = arith.addi %mul3A_2, %add3A_18 : i32
        %dma_wait3A_55 = arith.constant 0 : i32
        %dma_wait3A_56 = tpu.memref_slice %arg4[%add3A_54, %dma_wait3A_55] : memref<204800x128xf32, #tpu.memory_space<hbm>> -> memref<128x128xf32, #tpu.memory_space<hbm>>
        %dma_wait3A_57 = arith.constant 0 : i32
        %dma_wait3A_58 = tpu.memref_slice %arg4[%add3A_54, %dma_wait3A_57] : memref<204800x128xf32, #tpu.memory_space<hbm>> -> memref<128x128xf32, #tpu.memory_space<hbm>>
        tpu.wait_dma2 semaphore(%arg11 : memref<!tpu.dma_semaphore, #tpu.memory_space<semaphore_mem>>) src(%arg8 : memref<128x128xf32, #tpu.memory_space<vmem>>) dst(%dma_wait3A_58 : memref<128x128xf32, #tpu.memory_space<hbm>>)
      } else {
      }
      %dma_start3A_41 = arith.constant 0 : i32
      %dma_start3A_42 = arith.constant 0 : i32
      %dma_start3A_43 = tpu.memref_slice %arg2[%dma_start3A_41, %dma_start3A_42] : memref<500001x128xf32, #tpu.memory_space<hbm>> -> memref<500001x128xf32, #tpu.memory_space<hbm>>
      tpu.enqueue_indirect_dma source(%dma_start3A_43 : memref<500001x128xf32, #tpu.memory_space<hbm>>) target(%arg8 : memref<128x128xf32, #tpu.memory_space<vmem>>) offsets(%arg6 : memref<128xi32, #tpu.memory_space<vmem>>) semaphore(%arg9 : memref<!tpu.dma_semaphore, #tpu.memory_space<semaphore_mem>>)
      %dma_wait3A_44 = arith.constant 0 : i32
      %dma_wait3A_45 = arith.constant 0 : i32
      %dma_wait3A_46 = tpu.memref_slice %arg2[%dma_wait3A_44, %dma_wait3A_45] : memref<500001x128xf32, #tpu.memory_space<hbm>> -> memref<500001x128xf32, #tpu.memory_space<hbm>>
      tpu.wait_indirect_dma semaphore(%arg9 : memref<!tpu.dma_semaphore, #tpu.memory_space<semaphore_mem>>) src(%dma_wait3A_46 : memref<500001x128xf32, #tpu.memory_space<hbm>>) dst(%arg8 : memref<128x128xf32, #tpu.memory_space<vmem>>)
      %add3A_47 = arith.addi %mul3A_2, %add3A_18 : i32
      %add3A_48 = arith.constant 128 : i32
      %add3A_49 = arith.addi %add3A_47, %add3A_48 : i32
      %dma_start3A_50 = arith.constant 0 : i32
      %dma_start3A_51 = tpu.memref_slice %arg4[%add3A_49, %dma_start3A_50] : memref<204800x128xf32, #tpu.memory_space<hbm>> -> memref<128x128xf32, #tpu.memory_space<hbm>>
      %dma_start3A_52 = arith.constant 0 : i32
      %dma_start3A_53 = tpu.memref_slice %arg4[%add3A_49, %dma_start3A_52] : memref<204800x128xf32, #tpu.memory_space<hbm>> -> memref<128x128xf32, #tpu.memory_space<hbm>>
      tpu.enqueue_dma source(%arg8 : memref<128x128xf32, #tpu.memory_space<vmem>>) target(%dma_start3A_53 : memref<128x128xf32, #tpu.memory_space<hbm>>) target_semaphore(%arg11 : memref<!tpu.dma_semaphore, #tpu.memory_space<semaphore_mem>>)
    }
    %scan3A_6 = arith.constant 25 : i32
    %dma_wait3A = arith.constant 0 : i32
    %dma_wait3A_7 = tpu.memref_slice %arg4[%mul3A_2, %dma_wait3A] : memref<204800x128xf32, #tpu.memory_space<hbm>> -> memref<128x128xf32, #tpu.memory_space<hbm>>
    %dma_wait3A_8 = arith.constant 0 : i32
    %dma_wait3A_9 = tpu.memref_slice %arg4[%mul3A_2, %dma_wait3A_8] : memref<204800x128xf32, #tpu.memory_space<hbm>> -> memref<128x128xf32, #tpu.memory_space<hbm>>
    tpu.wait_dma2 semaphore(%arg10 : memref<!tpu.dma_semaphore, #tpu.memory_space<semaphore_mem>>) src(%arg7 : memref<128x128xf32, #tpu.memory_space<vmem>>) dst(%dma_wait3A_9 : memref<128x128xf32, #tpu.memory_space<hbm>>)
    %dma_wait3A_10 = arith.constant 0 : i32
    %dma_wait3A_11 = tpu.memref_slice %arg4[%mul3A_2, %dma_wait3A_10] : memref<204800x128xf32, #tpu.memory_space<hbm>> -> memref<128x128xf32, #tpu.memory_space<hbm>>
    %dma_wait3A_12 = arith.constant 0 : i32
    %dma_wait3A_13 = tpu.memref_slice %arg4[%mul3A_2, %dma_wait3A_12] : memref<204800x128xf32, #tpu.memory_space<hbm>> -> memref<128x128xf32, #tpu.memory_space<hbm>>
    tpu.wait_dma2 semaphore(%arg11 : memref<!tpu.dma_semaphore, #tpu.memory_space<semaphore_mem>>) src(%arg8 : memref<128x128xf32, #tpu.memory_space<vmem>>) dst(%dma_wait3A_13 : memref<128x128xf32, #tpu.memory_space<hbm>>)
    return
  }
}

module attributes {stable_mosaic.version = 14 : i64} {
  func.func @_tc_body(%arg0: i32, %arg1: memref<3200x128xf32, #tpu.memory_space<vmem>>, %arg2: memref<1x1x3200xi32, #tpu.memory_space<vmem>>, %arg3: memref<1x1x3200xi32, #tpu.memory_space<vmem>>, %arg4: memref<1x1x3200xi32, #tpu.memory_space<vmem>>, %arg5: memref<1x1x3200xi32, #tpu.memory_space<vmem>>, %arg6: memref<1x1x3200xi32, #tpu.memory_space<vmem>>, %arg7: memref<1x1x3200xf32, #tpu.memory_space<vmem>>, %arg8: memref<136x64xbf16, #tpu.memory_space<vmem>>, %arg9: memref<1x64xf32, #tpu.memory_space<vmem>>, %arg10: memref<1x64xf32, #tpu.memory_space<vmem>>, %arg11: memref<1x64xf32, #tpu.memory_space<vmem>>, %arg12: memref<64x50x64xf32, #tpu.memory_space<vmem>>) attributes {dimension_semantics = [#tpu.dimension_semantics<arbitrary>], iteration_bounds = array<i64: 64>, scalar_prefetch = 0 : i64, scratch_operands = 0 : i64, tpu.core_type = #tpu.core_type<tc>, window_params = [{transform_indices = @transform_0, window_bounds = array<i64: 3200, 128>}, {transform_indices = @transform_1, window_bounds = array<i64: 1, 1, 3200>}, {transform_indices = @transform_2, window_bounds = array<i64: 1, 1, 3200>}, {transform_indices = @transform_3, window_bounds = array<i64: 1, 1, 3200>}, {transform_indices = @transform_4, window_bounds = array<i64: 1, 1, 3200>}, {transform_indices = @transform_5, window_bounds = array<i64: 1, 1, 3200>}, {transform_indices = @transform_6, window_bounds = array<i64: 1, 1, 3200>}, {pipeline_mode = #tpu.pipeline_mode<synchronous>, transform_indices = @transform_7, window_bounds = array<i64: 136, 64>}, {pipeline_mode = #tpu.pipeline_mode<synchronous>, transform_indices = @transform_8, window_bounds = array<i64: 1, 64>}, {pipeline_mode = #tpu.pipeline_mode<synchronous>, transform_indices = @transform_9, window_bounds = array<i64: 1, 64>}, {pipeline_mode = #tpu.pipeline_mode<synchronous>, transform_indices = @transform_10, window_bounds = array<i64: 1, 64>}, {transform_indices = @transform_11, window_bounds = array<i64: 64, 50, 64>}]} {
    %get3A = arith.constant 0 : index
    %get3A_0 = arith.constant 0 : index
    %get3A_1 = arith.constant 0 : index
    %get3A_2 = vector.load %arg3[%get3A, %get3A_0, %get3A_1] : memref<1x1x3200xi32, #tpu.memory_space<vmem>>, vector<1x1x3200xi32>
    %get3A_3 = vector.shape_cast %get3A_2 : vector<1x1x3200xi32> to vector<1x3200xi32>
    %get3A_4 = arith.constant 0 : index
    %get3A_5 = arith.constant 0 : index
    %get3A_6 = arith.constant 0 : index
    %get3A_7 = vector.load %arg4[%get3A_4, %get3A_5, %get3A_6] : memref<1x1x3200xi32, #tpu.memory_space<vmem>>, vector<1x1x3200xi32>
    %get3A_8 = vector.shape_cast %get3A_7 : vector<1x1x3200xi32> to vector<1x3200xi32>
    %get3A_9 = arith.constant 0 : index
    %get3A_10 = arith.constant 0 : index
    %get3A_11 = arith.constant 0 : index
    %get3A_12 = vector.load %arg5[%get3A_9, %get3A_10, %get3A_11] : memref<1x1x3200xi32, #tpu.memory_space<vmem>>, vector<1x1x3200xi32>
    %get3A_13 = vector.shape_cast %get3A_12 : vector<1x1x3200xi32> to vector<1x3200xi32>
    %get3A_14 = arith.constant 0 : index
    %get3A_15 = arith.constant 0 : index
    %get3A_16 = arith.constant 0 : index
    %get3A_17 = vector.load %arg6[%get3A_14, %get3A_15, %get3A_16] : memref<1x1x3200xi32, #tpu.memory_space<vmem>>, vector<1x1x3200xi32>
    %get3A_18 = vector.shape_cast %get3A_17 : vector<1x1x3200xi32> to vector<1x3200xi32>
    %get3A_19 = arith.constant 0 : index
    %get3A_20 = arith.constant 0 : index
    %get3A_21 = arith.constant 0 : index
    %get3A_22 = vector.load %arg7[%get3A_19, %get3A_20, %get3A_21] : memref<1x1x3200xf32, #tpu.memory_space<vmem>>, vector<1x1x3200xf32>
    %get3A_23 = vector.shape_cast %get3A_22 : vector<1x1x3200xf32> to vector<1x3200xf32>
    %get3A_24 = arith.constant 0 : index
    %get3A_25 = arith.constant 0 : index
    %get3A_26 = arith.constant 0 : index
    %get3A_27 = vector.load %arg2[%get3A_24, %get3A_25, %get3A_26] : memref<1x1x3200xi32, #tpu.memory_space<vmem>>, vector<1x1x3200xi32>
    %get3A_28 = vector.shape_cast %get3A_27 : vector<1x1x3200xi32> to vector<1x3200xi32>
    %iota3A = tpu.iota {dimensions = array<i32: 0>} : vector<136x3200xi32>
    %add3A = arith.constant 0 : i32
    %add3A_29 = vector.broadcast %add3A : i32 to vector<1x3200xi32>
    %add3A_30 = arith.addi %get3A_3, %add3A_29 : vector<1x3200xi32>
    %eq3A = vector.broadcast %add3A_30 : vector<1x3200xi32> to vector<136x3200xi32>
    %eq3A_31 = arith.cmpi eq, %iota3A, %eq3A : vector<136x3200xi32>
    %add3A_32 = arith.constant 50 : i32
    %add3A_33 = vector.broadcast %add3A_32 : i32 to vector<1x3200xi32>
    %add3A_34 = arith.addi %get3A_8, %add3A_33 : vector<1x3200xi32>
    %eq3A_35 = vector.broadcast %add3A_34 : vector<1x3200xi32> to vector<136x3200xi32>
    %eq3A_36 = arith.cmpi eq, %iota3A, %eq3A_35 : vector<136x3200xi32>
    %or3A = arith.ori %eq3A_31, %eq3A_36 : vector<136x3200xi1>
    %add3A_37 = arith.constant 67 : i32
    %add3A_38 = vector.broadcast %add3A_37 : i32 to vector<1x3200xi32>
    %add3A_39 = arith.addi %get3A_13, %add3A_38 : vector<1x3200xi32>
    %eq3A_40 = vector.broadcast %add3A_39 : vector<1x3200xi32> to vector<136x3200xi32>
    %eq3A_41 = arith.cmpi eq, %iota3A, %eq3A_40 : vector<136x3200xi32>
    %or3A_42 = arith.ori %or3A, %eq3A_41 : vector<136x3200xi1>
    %add3A_43 = arith.constant 100 : i32
    %add3A_44 = vector.broadcast %add3A_43 : i32 to vector<1x3200xi32>
    %add3A_45 = arith.addi %get3A_18, %add3A_44 : vector<1x3200xi32>
    %eq3A_46 = vector.broadcast %add3A_45 : vector<1x3200xi32> to vector<136x3200xi32>
    %eq3A_47 = arith.cmpi eq, %iota3A, %eq3A_46 : vector<136x3200xi32>
    %or3A_48 = arith.ori %or3A_42, %eq3A_47 : vector<136x3200xi1>
    %eq3A_49 = arith.constant 133 : i32
    %eq3A_50 = vector.broadcast %eq3A_49 : i32 to vector<136x3200xi32>
    %eq3A_51 = arith.cmpi eq, %iota3A, %eq3A_50 : vector<136x3200xi32>
    %convert_element_type3A = arith.truncf %get3A_23 : vector<1x3200xf32> to vector<1x3200xbf16>
    %convert_element_type3A_52 = arith.extui %or3A_48 : vector<136x3200xi1> to vector<136x3200xi32>
    %convert_element_type3A_53 = arith.sitofp %convert_element_type3A_52 : vector<136x3200xi32> to vector<136x3200xf32>
    %convert_element_type3A_54 = arith.truncf %convert_element_type3A_53 : vector<136x3200xf32> to vector<136x3200xbf16>
    %broadcast_in_dim3A = vector.shape_cast %convert_element_type3A : vector<1x3200xbf16> to vector<1x3200xbf16>
    %broadcast_in_dim3A_55 = vector.broadcast %broadcast_in_dim3A : vector<1x3200xbf16> to vector<136x3200xbf16>
    %select_n3A = arith.select %eq3A_51, %broadcast_in_dim3A_55, %convert_element_type3A_54 : vector<136x3200xi1>, vector<136x3200xbf16>
    %get3A_56 = arith.constant 0 : index
    %get3A_57 = arith.constant 0 : index
    %get3A_58 = vector.load %arg8[%get3A_56, %get3A_57] : memref<136x64xbf16, #tpu.memory_space<vmem>>, vector<136x64xbf16>
    %dot_general3A = arith.constant dense<0.000000e+00> : vector<3200x64xf32>
    %dot_general3A_59 = tpu.matmul %select_n3A, %get3A_58, %dot_general3A {dimension_numbers = #tpu.dot_dimension_numbers<[0], [0], [1], [1], [0, 1, 1, 1], [], []>, transpose_lhs_hint = false} : vector<136x3200xbf16>, vector<136x64xbf16>, vector<3200x64xf32> -> vector<3200x64xf32>
    %broadcast_in_dim3A_60 = arith.constant 1.000000e+00 : bf16
    %broadcast_in_dim3A_61 = vector.broadcast %broadcast_in_dim3A_60 : bf16 to vector<1x64xbf16>
    %and3A = arith.constant 1 : i32
    %and3A_62 = vector.broadcast %and3A : i32 to vector<1x3200xi32>
    %and3A_63 = arith.andi %get3A_28, %and3A_62 : vector<1x3200xi32>
    %convert_element_type3A_64 = arith.sitofp %and3A_63 : vector<1x3200xi32> to vector<1x3200xbf16>
    %dot_general3A_65 = arith.constant dense<0.000000e+00> : vector<3200x64xf32>
    %dot_general3A_66 = tpu.matmul %convert_element_type3A_64, %broadcast_in_dim3A_61, %dot_general3A_65 {dimension_numbers = #tpu.dot_dimension_numbers<[0], [0], [1], [1], [0, 1, 1, 1], [], []>, transpose_lhs_hint = false} : vector<1x3200xbf16>, vector<1x64xbf16>, vector<3200x64xf32> -> vector<3200x64xf32>
    %get3A_67 = arith.constant 0 : index
    %get3A_68 = arith.constant 0 : index
    %get3A_69 = vector.load %arg1[%get3A_67, %get3A_68] : memref<3200x128xf32, #tpu.memory_space<vmem>>, vector<3200x128xf32>
    %slice3A = vector.extract_strided_slice %get3A_69 {offsets = [0, 0], sizes = [3200, 64], strides = [1, 1]} : vector<3200x128xf32> to vector<3200x64xf32>
    %slice3A_70 = vector.extract_strided_slice %get3A_69 {offsets = [0, 64], sizes = [3200, 64], strides = [1, 1]} : vector<3200x128xf32> to vector<3200x64xf32>
    %sub3A = arith.subf %slice3A_70, %slice3A : vector<3200x64xf32>
    %mul3A = arith.mulf %dot_general3A_66, %sub3A : vector<3200x64xf32>
    %add3A_71 = arith.addf %slice3A, %mul3A : vector<3200x64xf32>
    %add3A_72 = arith.addf %add3A_71, %dot_general3A_59 : vector<3200x64xf32>
    %get3A_73 = arith.constant 0 : index
    %get3A_74 = arith.constant 0 : index
    %get3A_75 = vector.load %arg9[%get3A_73, %get3A_74] : memref<1x64xf32, #tpu.memory_space<vmem>>, vector<1x64xf32>
    %add3A_76 = vector.broadcast %get3A_75 : vector<1x64xf32> to vector<3200x64xf32>
    %add3A_77 = arith.addf %add3A_72, %add3A_76 : vector<3200x64xf32>
    %broadcast_in_dim3A_78 = arith.constant 1.562500e-02 : bf16
    %broadcast_in_dim3A_79 = vector.broadcast %broadcast_in_dim3A_78 : bf16 to vector<64x64xbf16>
    %convert_element_type3A_80 = arith.truncf %add3A_77 : vector<3200x64xf32> to vector<3200x64xbf16>
    %dot_general3A_81 = arith.constant dense<0.000000e+00> : vector<3200x64xf32>
    %dot_general3A_82 = tpu.matmul %convert_element_type3A_80, %broadcast_in_dim3A_79, %dot_general3A_81 {dimension_numbers = #tpu.dot_dimension_numbers<[1], [0], [0], [1], [0, 0, 1, 1], [], []>, transpose_lhs_hint = false} : vector<3200x64xbf16>, vector<64x64xbf16>, vector<3200x64xf32> -> vector<3200x64xf32>
    %sub3A_83 = arith.subf %add3A_77, %dot_general3A_82 : vector<3200x64xf32>
    %mul3A_84 = arith.mulf %sub3A_83, %sub3A_83 : vector<3200x64xf32>
    %convert_element_type3A_85 = arith.truncf %mul3A_84 : vector<3200x64xf32> to vector<3200x64xbf16>
    %dot_general3A_86 = arith.constant dense<0.000000e+00> : vector<3200x64xf32>
    %dot_general3A_87 = tpu.matmul %convert_element_type3A_85, %broadcast_in_dim3A_79, %dot_general3A_86 {dimension_numbers = #tpu.dot_dimension_numbers<[1], [0], [0], [1], [0, 0, 1, 1], [], []>, transpose_lhs_hint = false} : vector<3200x64xbf16>, vector<64x64xbf16>, vector<3200x64xf32> -> vector<3200x64xf32>
    %add3A_88 = arith.constant 9.99999974E-6 : f32
    %add3A_89 = vector.broadcast %add3A_88 : f32 to vector<3200x64xf32>
    %add3A_90 = arith.addf %dot_general3A_87, %add3A_89 : vector<3200x64xf32>
    %rsqrt3A = math.rsqrt %add3A_90 : vector<3200x64xf32>
    %mul3A_91 = arith.mulf %sub3A_83, %rsqrt3A : vector<3200x64xf32>
    %get3A_92 = arith.constant 0 : index
    %get3A_93 = arith.constant 0 : index
    %get3A_94 = vector.load %arg10[%get3A_92, %get3A_93] : memref<1x64xf32, #tpu.memory_space<vmem>>, vector<1x64xf32>
    %mul3A_95 = vector.broadcast %get3A_94 : vector<1x64xf32> to vector<3200x64xf32>
    %mul3A_96 = arith.mulf %mul3A_91, %mul3A_95 : vector<3200x64xf32>
    %get3A_97 = arith.constant 0 : index
    %get3A_98 = arith.constant 0 : index
    %get3A_99 = vector.load %arg11[%get3A_97, %get3A_98] : memref<1x64xf32, #tpu.memory_space<vmem>>, vector<1x64xf32>
    %add3A_100 = vector.broadcast %get3A_99 : vector<1x64xf32> to vector<3200x64xf32>
    %add3A_101 = arith.addf %mul3A_96, %add3A_100 : vector<3200x64xf32>
    %reshape3A = vector.shape_cast %add3A_101 : vector<3200x64xf32> to vector<64x50x64xf32>
    %swap3A = arith.constant 0 : index
    %swap3A_102 = arith.constant 0 : index
    %swap3A_103 = arith.constant 0 : index
    %swap3A_104 = vector.load %arg12[%swap3A, %swap3A_102, %swap3A_103] : memref<64x50x64xf32, #tpu.memory_space<vmem>>, vector<64x50x64xf32>
    tpu.vector_store %arg12[%swap3A, %swap3A_102, %swap3A_103], %reshape3A {strides = array<i32>} : memref<64x50x64xf32, #tpu.memory_space<vmem>>, vector<64x50x64xf32>,
    return
  }
  func.func @transform_0(%arg0: i32) -> (i32, i32) {
    %c0_i32 = arith.constant 0 : i32
    %c0_i32_0 = arith.constant 0 : i32
    return %arg0, %c0_i32 : i32, i32
  }
  func.func @transform_1(%arg0: i32) -> (i32, i32, i32) {
    %c0_i32 = arith.constant 0 : i32
    %c0_i32_0 = arith.constant 0 : i32
    %c0_i32_1 = arith.constant 0 : i32
    return %arg0, %c0_i32, %c0_i32_0 : i32, i32, i32
  }
  func.func @transform_2(%arg0: i32) -> (i32, i32, i32) {
    %c0_i32 = arith.constant 0 : i32
    %c0_i32_0 = arith.constant 0 : i32
    %c0_i32_1 = arith.constant 0 : i32
    return %arg0, %c0_i32, %c0_i32_0 : i32, i32, i32
  }
  func.func @transform_3(%arg0: i32) -> (i32, i32, i32) {
    %c0_i32 = arith.constant 0 : i32
    %c0_i32_0 = arith.constant 0 : i32
    %c0_i32_1 = arith.constant 0 : i32
    return %arg0, %c0_i32, %c0_i32_0 : i32, i32, i32
  }
  func.func @transform_4(%arg0: i32) -> (i32, i32, i32) {
    %c0_i32 = arith.constant 0 : i32
    %c0_i32_0 = arith.constant 0 : i32
    %c0_i32_1 = arith.constant 0 : i32
    return %arg0, %c0_i32, %c0_i32_0 : i32, i32, i32
  }
  func.func @transform_5(%arg0: i32) -> (i32, i32, i32) {
    %c0_i32 = arith.constant 0 : i32
    %c0_i32_0 = arith.constant 0 : i32
    %c0_i32_1 = arith.constant 0 : i32
    return %arg0, %c0_i32, %c0_i32_0 : i32, i32, i32
  }
  func.func @transform_6(%arg0: i32) -> (i32, i32, i32) {
    %c0_i32 = arith.constant 0 : i32
    %c0_i32_0 = arith.constant 0 : i32
    %c0_i32_1 = arith.constant 0 : i32
    return %arg0, %c0_i32, %c0_i32_0 : i32, i32, i32
  }
  func.func @transform_7(%arg0: i32) -> (i32, i32) {
    %c0_i32 = arith.constant 0 : i32
    %c0_i32_0 = arith.constant 0 : i32
    %c0_i32_1 = arith.constant 0 : i32
    return %c0_i32, %c0_i32_0 : i32, i32
  }
  func.func @transform_8(%arg0: i32) -> (i32, i32) {
    %c0_i32 = arith.constant 0 : i32
    %c0_i32_0 = arith.constant 0 : i32
    %c0_i32_1 = arith.constant 0 : i32
    return %c0_i32, %c0_i32_0 : i32, i32
  }
  func.func @transform_9(%arg0: i32) -> (i32, i32) {
    %c0_i32 = arith.constant 0 : i32
    %c0_i32_0 = arith.constant 0 : i32
    %c0_i32_1 = arith.constant 0 : i32
    return %c0_i32, %c0_i32_0 : i32, i32
  }
  func.func @transform_10(%arg0: i32) -> (i32, i32) {
    %c0_i32 = arith.constant 0 : i32
    %c0_i32_0 = arith.constant 0 : i32
    %c0_i32_1 = arith.constant 0 : i32
    return %c0_i32, %c0_i32_0 : i32, i32
  }
  func.func @transform_11(%arg0: i32) -> (i32, i32, i32) {
    %c0_i32 = arith.constant 0 : i32
    %c0_i32_0 = arith.constant 0 : i32
    %c0_i32_1 = arith.constant 0 : i32
    return %arg0, %c0_i32, %c0_i32_0 : i32, i32, i32
  }
}

</mosaic_0001>

<sc_bundles>
// kernel: kernel.4.cloned.1.call-start
scs
__scs_entry_jumppad:
0x0: {  	(pc) =	sbr.rel $0x88, $3  }
0x1: {  	(tag) =	ssettag $0x0;
	lr =	simm.s32 $0x1  }
0x2: {  	[smem:$0x3F90] =	sst lr;
	_ =	strace $0xD0000000  }
0x3: {  	_ = 	snop  }
0x4: {  	_ = 	snop  }
0x5: {  	_ = 	snop  }
0x6: {  	_ = 	snop  }
0x7: {  	_ = 	snop  }
__scs_overlays_trampoline_lowered:
0x8: {  	[smem:$0x3F9F] =	sst s0  }
0x9: {  	[smem:$0x3FA0] =	sst s1  }
0xa: {  	[smem:$0x3FA1] =	sst s2  }
0xb: {  	[smem:$0x3FA2] =	sst s3  }
0xc: {  	[smem:$0x3FA3] =	sst s4  }
0xd: {  	[smem:$0x3FA4] =	sst s5  }
0xe: {  	[smem:$0x3FA5] =	sst s6  }
0xf: {  	[smem:$0x3FA6] =	sst s7  }
0x10: {  	[smem:$0x3FA7] =	sst s8  }
0x11: {  	[smem:$0x3FA8] =	sst s9;
	s0 =	simm.s32 @!p0 $0x0  }
0x12: {  	s1 =	sld [smem:$0x3F8E];
	s0 =	simm.s32 @p0 $0x1  }
0x13: {  	[smem:$0x3FA9] =	sst s0;
	s0 =	simm.s32 @!p1 $0x0  }
0x14: {  	s2 =	sld [smem:$0x3F8D];
	s0 =	simm.s32 @p1 $0x1  }
0x15: {  	[smem:$0x3FAA] =	sst s0;
	s0 =	simm.s32 @!p2 $0x0  }
0x16: {  	s3 =	sld [smem:$0x3FDB];
	s0 =	simm.s32 @p2 $0x1  }
0x17: {  	s4 =	simm.s32 $0x1BF5;
	[smem:$0x3FAC] =	sst s0  }
0x18: {  	s0 =	sld [smem:$0x3F8F];
	_ =	swait.ge [sflag:s4], $0x0  }
0x19: {  	s7 =	sld [smem:$0x3F90]  }
0x1a: {  	s8 =	sadd.s32 $0xFFFFE003, lr  }
0x1b: {  	s9 =	sadd.s32 $0xFFFFFEF7, lr;
	s5 =	simm.s32 $0xFFFFFFFF;
	p2 =	slt.u32 s8, $0xFFFFF086  }
0x1c: {  	p1 =	slt.u32 s9, $0xF7A;
	s5 =	simm.s32 @!p2 $0x0  }
0x1d: {  	s5 =	simm.s32 @p1 $0x1;
	p0 =	seq.s32 s7, s2  }
0x1e: {  	s7 =	smul.u32 @!p0 $0xF7A, s2;
	p2 =	seq.s32 @!p0 s5, $0x0  }
0x1f: {  	s9 =	smul.u32 $0xF7A, s1;
	s8 =	simm.s32 @!p0 $0x1BF5;
	p2 =	por !p2, p0  }
0x20: {  	[sflag:s8] =	ssyncset.s32 @!p0 $0xFFFFF086;
	s6 =	sadd.s32 @!p0 s3, s7;
	s7 =	simm.s32 @!p0 $0x108  }
0x21: {  	s3 =	sadd.s32 s3, s9;
	s6 =	sadd.s32 @!p0 $0x88, s6;
	s7 =	simm.s32 @p2 $0x1082  }
0x22: {  	[simem:s7], [sflag:s8] =	dma.local @!p0 [hbm:s6], $0xF7A  }
0x23: {  	s9 =	sor.u32 $0xD0000000, s2;
	s6 =	simm.s32 $0x108;
	_ =	swait.ge @!p0 [sflag:s8], $0x0  }
0x24: {  	s3 =	sadd.s32 $0x88, s3;
	s6 =	simm.s32 @!p1 $0x1082;
	[sflag:s4] =	ssyncset.s32 $0xFFFFF086  }
0x25: {  	[simem:s6], [sflag:s4] =	dma.local [hbm:s3], $0xF7A  }
0x26: {  	[smem:$0x3F90] =	sst s1;
	(tag) =	ssettag s2;
	_ =	strace s9  }
0x27: {  	s1 =	sld [smem:$0x3FA0]  }
0x28: {  	s2 =	sld [smem:$0x3FA1]  }
0x29: {  	s4 =	sld [smem:$0x3FA3]  }
0x2a: {  	p0 =	seq.s32 s5, $0x0;
	s5 =	sld [smem:$0x3FA4]  }
0x2b: {  	s6 =	sld [smem:$0x3FA5]  }
0x2c: {  	s7 =	sld [smem:$0x3FA6]  }
0x2d: {  	s3 =	simm.s32 $0x108;
	s8 =	sld [smem:$0x3FA7]  }
0x2e: {  	s3 =	simm.s32 @!p0 $0x1082;
	s9 =	sld [smem:$0x3FA8]  }
0x2f: {  	lr =	sadd.s32 s0, s3;
	s0 =	sld [smem:$0x3F9F]  }
0x30: {  	s3 =	sld [smem:$0x3FA2]  }
0x31: {  	[smem:$0x3FAB] =	sst s10  }
0x32: {  	s10 =	sld [smem:$0x3FA9];
	_ =	sdelay $0x3  }
0x33: {  	p0 =	seq.s32 s10, $0x1;
	s10 =	sld [smem:$0x3FAB];
	_ =	sdelay $0x3  }
0x34: {  	[smem:$0x3FAB] =	sst s10  }
0x35: {  	s10 =	sld [smem:$0x3FAA];
	_ =	sdelay $0x3  }
0x36: {  	p1 =	seq.s32 s10, $0x1;
	s10 =	sld [smem:$0x3FAB];
	_ =	sdelay $0x3  }
0x37: {  	[smem:$0x3FAB] =	sst s10  }
0x38: {  	s10 =	sld [smem:$0x3FAC]  }
0x39: {  	_ = 	snop;
	(pc) =	sbr.ind lr, $3  }
0x3a: {  	_ = 	snop  }
0x3b: {  	_ = 	snop  }
0x3c: {  	p2 =	seq.s32 s10, $0x1;
	s10 =	sld [smem:$0x3FAB]  }
0x3d: {  	_ =	shalt  }
0x3e: {  	_ =	shalt  }
0x3f: {  	_ =	shalt  }
0x40: {  	_ =	shalt  }
0x41: {  	_ =	shalt  }
0x42: {  	_ =	shalt  }
0x43: {  	_ =	shalt  }
0x44: {  	_ =	shalt  }
0x45: {  	_ =	shalt  }
0x46: {  	_ =	shalt  }
0x47: {  	_ =	shalt  }
0x48: {  	_ =	shalt  }
0x49: {  	_ =	shalt  }
0x4a: {  	_ =	shalt  }
0x4b: {  	_ =	shalt  }
0x4c: {  	_ =	shalt  }
0x4d: {  	_ =	shalt  }
0x4e: {  	_ =	shalt  }
0x4f: {  	_ =	shalt  }
0x50: {  	_ =	shalt  }
0x51: {  	_ =	shalt  }
0x52: {  	_ =	shalt  }
0x53: {  	_ =	shalt  }
0x54: {  	_ =	shalt  }
0x55: {  	_ =	shalt  }
0x56: {  	_ =	shalt  }
0x57: {  	_ =	shalt  }
0x58: {  	_ =	shalt  }
0x59: {  	_ =	shalt  }
0x5a: {  	_ =	shalt  }
0x5b: {  	_ =	shalt  }
0x5c: {  	_ =	shalt  }
0x5d: {  	_ =	shalt  }
0x5e: {  	_ =	shalt  }
0x5f: {  	_ =	shalt  }
0x60: {  	_ =	shalt  }
0x61: {  	_ =	shalt  }
0x62: {  	_ =	shalt  }
0x63: {  	_ =	shalt  }
0x64: {  	_ =	shalt  }
0x65: {  	_ =	shalt  }
0x66: {  	_ =	shalt  }
0x67: {  	_ =	shalt  }
0x68: {  	_ =	shalt  }
0x69: {  	_ =	shalt  }
0x6a: {  	_ =	shalt  }
0x6b: {  	_ =	shalt  }
0x6c: {  	_ =	shalt  }
0x6d: {  	_ =	shalt  }
0x6e: {  	_ =	shalt  }
0x6f: {  	_ =	shalt  }
0x70: {  	_ =	shalt  }
0x71: {  	_ =	shalt  }
0x72: {  	_ =	shalt  }
0x73: {  	_ =	shalt  }
0x74: {  	_ =	shalt  }
0x75: {  	_ =	shalt  }
0x76: {  	_ =	shalt  }
0x77: {  	_ =	shalt  }
0x78: {  	_ =	shalt  }
0x79: {  	_ =	shalt  }
0x7a: {  	_ =	shalt  }
0x7b: {  	_ =	shalt  }
0x7c: {  	_ =	shalt  }
0x7d: {  	_ =	shalt  }
0x7e: {  	_ =	shalt  }
0x7f: {  	_ =	shalt  }
0x80: {  	_ =	shalt  }
0x81: {  	_ =	shalt  }
0x82: {  	_ =	shalt  }
0x83: {  	_ =	shalt  }
0x84: {  	_ =	shalt  }
0x85: {  	_ =	shalt  }
0x86: {  	_ =	shalt  }
0x87: {  	_ =	shalt  }
.Lfunc_end0:
.L_simem_size_0:
called_computation_lowered:
.L_overlay_start_0:
0x88: {  	s2 =	sld [smem:$0x3FD9]  }
0x89: {  	s3 =	sld [smem:$0x3FFE];
	_ =	sdelay $0x1  }
0x8a: {  	s1 =	srdreg.scid  }
0x8b: {  	s0 =	sand.u32 $0x1, s1  }
0x8c: {  	s17 =	sshll.u32 s0, $0xA;
	s2 =	sadd.s32 s3, s2  }
0x8d: {  	s2 =	sadd.s32 s2, s17  }
0x8e: {  	[smem:$0x3FB7] =	sst s2  }
0x8f: {  	_ = 	snop  }
0x90: {  	s2 =	sld [smem:$0x3FD0];
	(tm) =	ssettm $0x1  }
0x91: {  	s18 =	sld [smem:$0x3FFB];
	_ =	sdelay $0x3  }
0x92: {  	_ =	strace s18  }
0x93: {  	s3 =	sld [smem:$0x3FFC];
	_ =	sdelay $0x3  }
0x94: {  	_ =	strace s3  }
0x95: {  	s3 =	sld [smem:$0x3FFD];
	_ =	sdelay $0x3  }
0x96: {  	_ =	strace s3  }
0x97: {  	_ =	strace $0x8FFFFFFF  }
0x98: {  	s19 =	sld [smem:$0x3FDB];
	_ =	sdelay $0x1  }
0x99: {  	s4 =	simm.s32 $_scs_section_size  }
0x9a: {  	s5 =	simm.s32 $_size__tile_overlayer_lowered;
	s6 =	simm.s32 $_tile_overlayer_lowered  }
0x9b: {  	s22 =	simm.s32 $0x1BFF;
	s21 =	sshll.u32 s6, $0x1;
	s3 =	sadd.s32 s4, s19  }
0x9c: {  	s7 =	simm.s32 $0x0;
	s20 =	sshll.u32 s5, $0x1;
	s5 =	sadd.s32 s21, s3  }
0x9d: {  	[timem:s7], [sflag:s22] =	dma.local [hbm:s5], s20  }
0x9e: {  	_ =	swait.ge [sflag:s22], s20  }
0x9f: {  	s4 =	ssub.s32 $0x0, s20;
	[sflag:s22] =	ssyncset.done $0x0  }
0xa0: {  	[sflag:s22] =	ssyncadd.s32 s4;
	_ =	sdelay $0x1  }
0xa1: {  	s23 =	simm.s32 $0x1B8B  }
0xa2: {  	_ =	swait.ge [sflag:s23], $0x1  }
0xa3: {  	[sflag:s23] =	ssyncset.done $0x0  }
0xa4: {  	s25 =	simm.s32 $0x1B8E;
	s24 =	sld [smem:$0x3FFE];
	[sflag:s23] =	ssyncadd.s32 $0xFFFFFFFF  }
0xa5: {  	s26 =	simm.s32 $execute0_lowered;
	[smem:$0x3FD2] =	sst s25  }
0xa6: {  	s5 =	sshll.u32 s26, $0x1;
	_ =	strace $0x80000046;
	[dreg:$0x1] =	wrdreg $0xFFFFFFFF  }
0xa7: {  	s28 =	simm.s32 $_size_execute0_lowered;
	s3 =	sadd.s32 s3, s5;
	[dreg:$0x0] =	wrdreg $0x0  }
0xa8: {  	s5 =	sshll.u32 s28, $0x1;
	[dreg:$0x2] =	wrdreg s3  }
0xa9: {  	[dreg:$0x3] =	wrdreg s5  }
0xaa: {  	[dreg:$0x4] =	wrdreg $0xC0  }
0xab: {  	_ =	task [dreg:s7], $0x5FFFF  }
0xac: {  	[dreg:$0x1] =	wrdreg $0xFFFFFFFF  }
0xad: {  	[dreg:$0x0] =	wrdreg $0x60  }
0xae: {  	[dreg:$0x2] =	wrdreg s24  }
0xaf: {  	[dreg:$0x3] =	wrdreg s2  }
0xb0: {  	[dreg:$0x4] =	wrdreg $0x9  }
0xb1: {  	_ =	task.clear_ibuf [dreg:s7], $0x5FFFF;
	_ =	strace $0x90000046  }
0xb2: {  	s29 =	simm.s32 $0x9;
	_ =	strace $0x80000048  }
0xb3: {  	_ =	swait.ge [sflag:s29], $0x1  }
0xb4: {  	[sflag:s29] =	ssyncadd.s32 $0xFFFFFFFF  }
0xb5: {  	_ =	strace $0x90000048  }
0xb6: {  	_ =	sfence  }
0xb7: {  	s30 =	sld [smem:$0x0];
	_ =	sdelay $0x2  }
0xb8: {  	s31 =	sshll.u32 s1, $0xD;
	s1 =	sshrl.u32 s1, $0x2  }
0xb9: {  	s3 =	sand.u32 $0x4000, s31;
	s1 =	sadd.s32 s1, s30  }
0xba: {  	s0 =	sor.u32 s3, s0;
	s1 =	sshll.u32 s1, $0x11  }
0xbb: {  	s0 =	sor.u32 s1, s0  }
0xbc: {  	s0 =	sadd.s32 $0x8F2B, s0  }
0xbd: {  	[sflag:s0] =	ssyncadd.remote.s32 $0x1  }
0xbe: {  	_ =	sfence.sel $0xFFFF  }
0xbf: {  	[dreg:$0x0] =	wrdreg $0xFFFFFFFF;
	(pc) =	sbr.abs _section_cstart, $3  }
0xc0: {  	[dreg:$0x1] =	wrdreg $0xFFFFFFFF  }
0xc1: {  	_ =	task.clear_ibuf [dreg:s7], $0x2FFFF;
	_ =	strace $0x9FFFFFFF  }
0xc2: {  	(tm) =	ssettm $0x7FFFFFFF  }
0xc3: {  	_ =	shalt  }
tec
execute0_lowered:
.L_overlay_start_1:
0x0: {  	(tag) =	ssettag $0x1  }
0x1: {  	s5 =	rddreg [dreg:$0x0]  }
0x2: {  	s2 =	rddreg [dreg:$0x1]  }
0x3: {  	s0 =	rddreg [dreg:$0x2];
	s3 =	simm.s32 $0x0;
	s4 =	srdreg.scid  }
0x4: {  	s1 =	stileid.u32;
	s16 =	simm.s32 $0x1;
	s17 =	simm.s32 $0x4100  }
0x5: {  	s18 =	simm.s32 $0x2;
	s19 =	simm.s32 $0x3;
	s12 =	smul.u32 $0x3200, s1  }
0x6: {  	s20 =	simm.s32 $0x0;
	s8 =	sand.u32 $0x1, s4;
	s31 =	smul.u32 $0x32000, s1  }
0x7: {  	[smem:$0x7FF] =	sst s3;
	s28 =	sshll.u32 s1, $0x1;
	s13 =	smul.u32 $0x1900, s8  }
0x8: {  	s4 =	sadd.s32 $0xF44C00, s5;
	s6 =	sor.u32 s8, s28;
	s15 =	smul.u32 $0x19000, s8  }
0x9: {  	s10 =	sadd.s32 $0x2600, s5;
	s7 =	ssub.s32 $0x2, s8;
	s9 =	smul.u32 $0x1900, s6  }
0xa: {  	_ =	strace $0x80000047;
	s29 =	sshrl.u32 s7, $0x1;
	s11 =	smul.u32 $0x19000, s6  }
0xb: {  	s5 =	ssub.s32 s7, s29;
	s12 =	sadd.s32 s13, s12;
	s30 =	sshrl.u32 s9, $0x3  }
0xc: {  	s5 =	smax.u32 s5, $0x1;
	s7 =	sadd.s32 s10, s11;
	s9 =	sor.u32 $0x80, s9  }
0xd: {  	s11 =	sadd.s32 s31, s10;
	s13 =	sadd.s32 $0x180, s12;
	s12 =	sadd.s32 $0x100, s12  }
0xe: {  	s6 =	sadd.s32 s2, s30;
	s14 =	sshrl.u32 s9, $0x3;
	s9 =	sshll.u32 s9, $0x4  }
0xf: {  	s11 =	sadd.s32 s15, s11;
	s13 =	sshrl.u32 s13, $0x3;
	s15 =	simm.s32 $0x100  }
0x10: {  	s8 =	sadd.s32 s2, s14;
	s9 =	sadd.s32 s10, s9;
	s10 =	sadd.s32 $0x1000, s11  }
0x11: {  	s11 =	sadd.s32 s13, s2;
	s13 =	simm.s32 $0x4;
	s14 =	simm.s32 $0x80  }
.LBB2_1:
0x12: {  	[tilespmem:s3], [sflag:$0x4] =	stream.linear.gather [hbm4b:s6+s3], $0x80, $0x38;
	[tilespmem:$0x8100] =	vst v63  }
0x13: {  	_ =	swait.ge [sflag:s13], $0x80  }
0x14: {  	[sflag:s13] =	ssyncset.done $0x0  }
0x15: {  	[sflag:s13] =	ssyncadd.s32 $0xFFFFFF80  }
0x16: {  	[tilespmem:s15], [sflag:$0x1] =	stream.indirect.gather [hbm4b:s4+s14], $0x80, s3, s14, $0xb8;
	[tilespmem:$0x8100] =	vst v63  }
0x17: {  	_ =	swait.ge [sflag:s16], $0x4000  }
0x18: {  	[sflag:s16] =	ssyncset.done $0x0  }
0x19: {  	[sflag:s16] =	ssyncadd.s32 $0xFFFFC000  }
0x1a: {  	[hbm4b:s7+s3] =	stream.linear.scatter [tilespmem:s15], [sflag:$0x2], $0x4000, $0x38;
	[tilespmem:$0x8100] =	vst v63  }
0x1b: {  	_ = 	snop  }
0x1c: {  	[tilespmem:s14], [sflag:$0x4] =	stream.linear.gather [hbm4b:s8+s3], $0x80, $0x38;
	[tilespmem:$0x8100] =	vst v63  }
0x1d: {  	_ =	swait.ge [sflag:s13], $0x80  }
0x1e: {  	[sflag:s13] =	ssyncset.done $0x0  }
0x1f: {  	[sflag:s13] =	ssyncadd.s32 $0xFFFFFF80  }
0x20: {  	[tilespmem:s17], [sflag:$0x1] =	stream.indirect.gather [hbm4b:s4+s14], $0x80, s14, s14, $0xb8;
	[tilespmem:$0x8100] =	vst v63  }
0x21: {  	_ =	swait.ge [sflag:s16], $0x4000  }
0x22: {  	[sflag:s16] =	ssyncset.done $0x0  }
0x23: {  	s21 =	sshrl.u32 s12, $0x3;
	[sflag:s16] =	ssyncadd.s32 $0xFFFFC000  }
0x24: {  	[hbm4b:s9+s3] =	stream.linear.scatter [tilespmem:s17], [sflag:$0x3], $0x4000, $0x38;
	[tilespmem:$0x8100] =	vst v63  }
0x25: {  	s21 =	sadd.s32 s2, s21  }
0x26: {  	[tilespmem:s3], [sflag:$0x4] =	stream.linear.gather [hbm4b:s21+s3], $0x80, $0x38;
	[tilespmem:$0x8100] =	vst v63  }
0x27: {  	_ =	swait.ge [sflag:s13], $0x80  }
0x28: {  	[sflag:s13] =	ssyncset.done $0x0  }
0x29: {  	[sflag:s13] =	ssyncadd.s32 $0xFFFFFF80  }
0x2a: {  	_ =	swait.ge [sflag:s18], $0x4000  }
0x2b: {  	[sflag:s18] =	ssyncset.done $0x0  }
0x2c: {  	[sflag:s18] =	ssyncadd.s32 $0xFFFFC000  }
0x2d: {  	[tilespmem:s15], [sflag:$0x1] =	stream.indirect.gather [hbm4b:s4+s14], $0x80, s3, s14, $0xb8;
	[tilespmem:$0x8100] =	vst v63  }
0x2e: {  	_ =	swait.ge [sflag:s16], $0x4000  }
0x2f: {  	[sflag:s16] =	ssyncset.done $0x0  }
0x30: {  	[sflag:s16] =	ssyncadd.s32 $0xFFFFC000  }
0x31: {  	[hbm4b:s10+s3] =	stream.linear.scatter [tilespmem:s15], [sflag:$0x2], $0x4000, $0x38;
	[tilespmem:$0x8100] =	vst v63  }
0x32: {  	s31 =	sadd.s32 $0x0, s11  }
0x33: {  	[tilespmem:s14], [sflag:$0x4] =	stream.linear.gather [hbm4b:s31+s3], $0x80, $0x38;
	[tilespmem:$0x8100] =	vst v63  }
0x34: {  	_ =	swait.ge [sflag:s13], $0x80  }
0x35: {  	[sflag:s13] =	ssyncset.done $0x0  }
0x36: {  	[sflag:s13] =	ssyncadd.s32 $0xFFFFFF80  }
0x37: {  	_ =	swait.ge [sflag:s19], $0x4000  }
0x38: {  	[sflag:s19] =	ssyncset.done $0x0  }
0x39: {  	s25 =	sadd.s32 $0x100, s12;
	[sflag:s19] =	ssyncadd.s32 $0xFFFFC000  }
0x3a: {  	[tilespmem:s17], [sflag:$0x1] =	stream.indirect.gather [hbm4b:s4+s14], $0x80, s14, s14, $0xb8;
	[tilespmem:$0x8100] =	vst v63  }
0x3b: {  	s22 =	simm.s32 $0x20;
	s24 =	simm.s32 $0x40;
	_ =	swait.ge [sflag:s16], $0x4000  }
0x3c: {  	s26 =	sadd.s32 $0x800, s10;
	s23 =	sshrl.u32 s25, $0x3;
	[sflag:s16] =	ssyncset.done $0x0  }
0x3d: {  	s25 =	sadd.s32 $0x100, s25;
	s21 =	sadd.s32 $0x1000, s10;
	[sflag:s16] =	ssyncadd.s32 $0xFFFFC000  }
.LBB2_2:
0x3e: {  	[hbm4b:s26+s3] =	stream.linear.scatter [tilespmem:s17], [sflag:$0x3], $0x4000, $0x38;
	[tilespmem:$0x8100] =	vst v63  }
0x3f: {  	p0 =	sne.s32 s24, $0x2E0;
	s26 =	sadd.s32 s2, s23;
	s23 =	sshrl.u32 s25, $0x3  }
0x40: {  	[tilespmem:s3], [sflag:$0x4] =	stream.linear.gather [hbm4b:s26+s3], $0x80, $0x38;
	[tilespmem:$0x8100] =	vst v63  }
0x41: {  	s26 =	smov.u32 s24;
	s24 =	sadd.s32 $0x20, s24;
	_ =	swait.ge [sflag:s13], $0x80  }
0x42: {  	s28 =	smov.u32 s21;
	[sflag:s13] =	ssyncset.done $0x0  }
0x43: {  	[sflag:s13] =	ssyncadd.s32 $0xFFFFFF80  }
0x44: {  	_ =	swait.ge [sflag:s18], $0x4000  }
0x45: {  	[sflag:s18] =	ssyncset.done $0x0  }
0x46: {  	[sflag:s18] =	ssyncadd.s32 $0xFFFFC000  }
0x47: {  	[tilespmem:s15], [sflag:$0x1] =	stream.indirect.gather [hbm4b:s4+s14], $0x80, s3, s14, $0xb8;
	[tilespmem:$0x8100] =	vst v63  }
0x48: {  	_ =	swait.ge [sflag:s16], $0x4000  }
0x49: {  	[sflag:s16] =	ssyncset.done $0x0  }
0x4a: {  	[sflag:s16] =	ssyncadd.s32 $0xFFFFC000  }
0x4b: {  	[hbm4b:s21+s3] =	stream.linear.scatter [tilespmem:s15], [sflag:$0x2], $0x4000, $0x38;
	[tilespmem:$0x8100] =	vst v63  }
0x4c: {  	s29 =	sadd.s32 s22, s11;
	s22 =	smov.u32 s26  }
0x4d: {  	[tilespmem:s14], [sflag:$0x4] =	stream.linear.gather [hbm4b:s29+s3], $0x80, $0x38;
	[tilespmem:$0x8100] =	vst v63  }
0x4e: {  	_ =	swait.ge [sflag:s13], $0x80  }
0x4f: {  	[sflag:s13] =	ssyncset.done $0x0  }
0x50: {  	[sflag:s13] =	ssyncadd.s32 $0xFFFFFF80  }
0x51: {  	_ =	swait.ge [sflag:s19], $0x4000  }
0x52: {  	[sflag:s19] =	ssyncset.done $0x0  }
.Ltmp0:
0x53: {  	[sflag:s19] =	ssyncadd.s32 $0xFFFFC000;
	(pc) =	sbr.rel @p0 .LBB2_2-.Ltmp0, $4  }
0x54: {  	[tilespmem:s17], [sflag:$0x1] =	stream.indirect.gather [hbm4b:s4+s14], $0x80, s14, s14, $0xb8;
	[tilespmem:$0x8100] =	vst v63  }
0x55: {  	_ =	swait.ge [sflag:s16], $0x4000  }
0x56: {  	s21 =	sadd.s32 $0x1000, s21;
	[sflag:s16] =	ssyncset.done $0x0  }
0x57: {  	s25 =	sadd.s32 $0x100, s25;
	s26 =	sadd.s32 $0x800, s28;
	[sflag:s16] =	ssyncadd.s32 $0xFFFFC000  }
0x58: {  	[hbm4b:s26+s3] =	stream.linear.scatter [tilespmem:s17], [sflag:$0x3], $0x4000, $0x38;
	[tilespmem:$0x8100] =	vst v63  }
0x59: {  	s23 =	sadd.s32 s2, s23  }
0x5a: {  	[tilespmem:s3], [sflag:$0x4] =	stream.linear.gather [hbm4b:s23+s3], $0x80, $0x38;
	[tilespmem:$0x8100] =	vst v63  }
0x5b: {  	_ =	swait.ge [sflag:s13], $0x80  }
0x5c: {  	[sflag:s13] =	ssyncset.done $0x0  }
0x5d: {  	[sflag:s13] =	ssyncadd.s32 $0xFFFFFF80  }
0x5e: {  	_ =	swait.ge [sflag:s18], $0x4000  }
0x5f: {  	[sflag:s18] =	ssyncset.done $0x0  }
0x60: {  	[sflag:s18] =	ssyncadd.s32 $0xFFFFC000  }
0x61: {  	[tilespmem:s15], [sflag:$0x1] =	stream.indirect.gather [hbm4b:s4+s14], $0x80, s3, s14, $0xb8;
	[tilespmem:$0x8100] =	vst v63  }
0x62: {  	_ =	swait.ge [sflag:s16], $0x4000  }
0x63: {  	[sflag:s16] =	ssyncset.done $0x0  }
0x64: {  	[sflag:s16] =	ssyncadd.s32 $0xFFFFC000  }
0x65: {  	[hbm4b:s21+s3] =	stream.linear.scatter [tilespmem:s15], [sflag:$0x2], $0x4000, $0x38;
	[tilespmem:$0x8100] =	vst v63  }
0x66: {  	s22 =	sadd.s32 s22, s11  }
0x67: {  	[tilespmem:s14], [sflag:$0x4] =	stream.linear.gather [hbm4b:s22+s3], $0x80, $0x38;
	[tilespmem:$0x8100] =	vst v63  }
0x68: {  	_ =	swait.ge [sflag:s13], $0x80  }
0x69: {  	[sflag:s13] =	ssyncset.done $0x0  }
0x6a: {  	[sflag:s13] =	ssyncadd.s32 $0xFFFFFF80  }
0x6b: {  	_ =	swait.ge [sflag:s19], $0x4000  }
0x6c: {  	[sflag:s19] =	ssyncset.done $0x0  }
0x6d: {  	[sflag:s19] =	ssyncadd.s32 $0xFFFFC000  }
0x6e: {  	[tilespmem:s17], [sflag:$0x1] =	stream.indirect.gather [hbm4b:s4+s14], $0x80, s14, s14, $0xb8;
	[tilespmem:$0x8100] =	vst v63  }
0x6f: {  	_ =	swait.ge [sflag:s16], $0x4000  }
0x70: {  	[sflag:s16] =	ssyncset.done $0x0  }
0x71: {  	s31 =	sadd.s32 $0x800, s21;
	s20 =	sadd.s32 $0x1, s20;
	[sflag:s16] =	ssyncadd.s32 $0xFFFFC000  }
0x72: {  	[hbm4b:s31+s3] =	stream.linear.scatter [tilespmem:s17], [sflag:$0x3], $0x4000, $0x38;
	[tilespmem:$0x8100] =	vst v63  }
0x73: {  	p0 =	sne.s32 s20, s5;
	_ =	swait.ge [sflag:s18], $0x4000  }
.Ltmp1:
0x74: {  	[sflag:s18] =	ssyncset.done $0x0;
	(pc) =	sbr.rel @p0 .LBB2_1-.Ltmp1, $4  }
0x75: {  	[sflag:s18] =	ssyncadd.s32 $0xFFFFC000  }
0x76: {  	_ =	swait.ge [sflag:s19], $0x4000  }
0x77: {  	[sflag:s19] =	ssyncset.done $0x0  }
0x78: {  	[sflag:s19] =	ssyncadd.s32 $0xFFFFC000  }
0x79: {  	_ =	sfence.sel $0x180000  }
0x7a: {  	[bflag:$0x0] =	sbarrier.arrive $0xFFFF  }
0x7b: {  	p0 =	sne.s32 s1, $0x0;
	_ =	strace $0x90000047  }
0x7c: {  	s0 =	sadd.s32 @!p0 $0x100000, s0;
	[bflag:$0x2] =	sbarrier.arrive $0xFFFF  }
0x7d: {  	[sflag:s0] =	ssyncadd.tile.s32 @!p0 $0x1;
	_ =	shalt  }
.Lfunc_end2:
_tile_overlayer_lowered:
.L_overlay_start_2:
0x7e: {  	(tag) =	ssettag $0x2  }
0x7f: {  	s0 =	rddreg [dreg:$0x0];
	s2 =	stileid.u32  }
0x80: {  	s1 =	rddreg [dreg:$0x1];
	p0 =	sne.s32 s2, $0x0  }
0x81: {  	s3 =	rddreg [dreg:$0x2];
	[bflag:$0x3] =	sbarrier.arrive $0xFFFF;
	s2 =	simm.s32 @!p0 $0x1C04  }
0x82: {  	[timem:s3], [sflag:s2] =	dma.local @!p0 [hbm:s0], s1  }
0x83: {  	s0 =	simm.s32 @!p0 $0x4  }
0x84: {  	_ =	swait.ge @!p0 [sflag:s0], s1  }
0x85: {  	s1 =	ssub.s32 @!p0 $0x0, s1;
	[sflag:s0] =	ssyncset.done @!p0 $0x0  }
0x86: {  	[sflag:s0] =	ssyncadd.s32 @!p0 s1  }
0x87: {  	[bflag:$0x3] =	sbarrier.arrive $0xFFFF  }
0x88: {  	_ =	shalt  }

</sc_bundles>
